<compile_context>
chip_gen: v7x
topology: tpu7x:2x2x1
jax: 0.10.2.dev20260603
libtpu: 0.0.44.dev20260713+nightly
codegen_flags: <defaults>
</compile_context>

<pallas_src>
import functools

import jax
import jax.numpy as jnp
from jax import lax
from jax.experimental import pallas as pl
from jax.experimental.pallas import tpu as pltpu
from jax.experimental.pallas import tpu_sc as plsc

L = 200
LP = 256
NC = 2
NS = 16
NW = NC * NS
RPW = LP // NW
NACT = L // RPW
SKILL = 128
KH = 64
NLANE = 16


def _sc_body(sq_hbm, item_hbm, uimp_hbm, user_hbm, out_hbm,
             idx_v, uidx_v, rows_v, u_v, out_v, sem0, usem):
    wid = lax.axis_index("s") * NC + lax.axis_index("c")
    base = wid * RPW

    @pl.when(wid < NACT)
    def _():
        pltpu.sync_copy(sq_hbm.at[pl.ds(base, RPW)], idx_v)
        cp = pltpu.async_copy(item_hbm.at[idx_v], rows_v, sem0)
        pltpu.sync_copy(user_hbm, uidx_v)
        pltpu.async_copy(uimp_hbm.at[uidx_v], u_v, usem).wait()
        cp.wait()

        def sg_body(sg, carry):
            c0 = sg * NLANE
            zero = tuple(jnp.zeros((NLANE,), jnp.float32)
                         for _ in range(RPW))

            @plsc.parallel_loop(0, KH, unroll=4, carry=zero)
            def accs(kh, acc):
                uv = u_v[0, kh, pl.ds(c0, NLANE)]
                return tuple(
                    acc[r] + uv * rows_v[r, kh, pl.ds(c0, NLANE)]
                    for r in range(RPW)
                )

            for r in range(RPW):
                out_v[r, pl.ds(c0, NLANE)] = accs[r]
            return carry

        lax.fori_loop(0, SKILL // NLANE, sg_body, 0)

        pltpu.sync_copy(out_v, out_hbm.at[pl.ds(base, RPW)])


_sc_gather_dot = functools.partial(
    pl.kernel,
    out_type=jax.ShapeDtypeStruct((LP, SKILL), jnp.float32),
    mesh=plsc.VectorSubcoreMesh(
        core_axis_name="c", subcore_axis_name="s",
        num_cores=NC, num_subcores=NS),
    scratch_types=[
        pltpu.VMEM((RPW,), jnp.int32),
        pltpu.VMEM((1,), jnp.int32),
        pltpu.VMEM((RPW, KH, SKILL), jnp.float32),
        pltpu.VMEM((1, KH, SKILL), jnp.float32),
        pltpu.VMEM((RPW, SKILL), jnp.float32),
        pltpu.SemaphoreType.DMA,
        pltpu.SemaphoreType.DMA,
    ],
    compiler_params=pltpu.CompilerParams(
        needs_layout_passes=False,
        disable_bounds_checks=True,
        disable_semaphore_checks=True,
        skip_device_barrier=True,
    ),
)(_sc_body)


def _tc_body(imp_ref, tk_ref, out_ref):
    i = lax.broadcasted_iota(jnp.int32, (LP, LP), 0)
    j = lax.broadcasted_iota(jnp.int32, (LP, LP), 1)
    a = jnp.where(j < i, 1.0, 0.0)
    ri = lax.broadcasted_iota(jnp.int32, (LP, SKILL), 0)
    imp = jnp.where(ri < L, jnp.maximum(imp_ref[...], 0.0), 0.0)
    acc = jnp.dot(a, imp, preferred_element_type=jnp.float32)
    out_ref[...] = jax.nn.sigmoid(acc + tk_ref[...])[: L + 1]


def _tc_epilogue(improves, tk):
    return pl.pallas_call(
        _tc_body,
        out_shape=jax.ShapeDtypeStruct((L + 1, SKILL), jnp.float32),
    )(improves, tk)


def kernel(user, sq, user_initial_k, user_improving_k, item_improving_k):
    sq32 = sq.astype(jnp.int32)
    itemT = jnp.swapaxes(item_improving_k, 1, 2)
    uimpT = jnp.swapaxes(user_improving_k, 1, 2)
    user_arr = jnp.asarray(user, jnp.int32)[None]
    tk = user_initial_k[user][None]
    improves = _sc_gather_dot(sq32, itemT, uimpT, user_arr)
    out = _tc_epilogue(improves, tk)
    return (out, 0, 0)

# --- scband reference (transcript-rebuilt; emitter-appended) ---
"""Pipeline reference for scband-k-cmf-17540646437584 (READ-ONLY COPY).

The authoritative reference and input builder live on the scoring server;
editing this copy changes nothing except your own understanding.
"""

import jax, jax.numpy as jnp
import numpy as np

USER_NUM = 10000
ITEM_NUM = 5000
SKILL = 128
KH = 64
L = 200
USER_ID = 1234


def setup_inputs(seed: int = 0) -> dict:
    key = jax.random.key(seed)
    k1, k2 = jax.random.split(key)
    sq = jax.random.randint(k1, (L,), 0, ITEM_NUM, dtype=jnp.int64 if jax.config.jax_enable_x64 else jnp.int32)
    # Q_matrix: binary skill-tagging matrix [item_num, skill_num]
    Q = (jax.random.uniform(k2, (ITEM_NUM, SKILL)) < 0.1).astype(jnp.float32)
    # Parameters per __init__
    user_initial_k = jnp.zeros((USER_NUM, SKILL), dtype=jnp.float32)  # zeros * 0.01
    user_improving_k = jnp.ones((USER_NUM, SKILL, KH), dtype=jnp.float32) * 0.01
    # item_improving_k.data = (ones * 0.01) * Q_matrix_m  (Q broadcast over k_hidden)
    item_improving_k = (jnp.ones((ITEM_NUM, SKILL, KH), dtype=jnp.float32) * 0.01) * Q[:, :, None]
    return {
        "user": USER_ID,
        "sq": sq,
        "user_initial_k": user_initial_k,
        "user_improving_k": user_improving_k,
        "item_improving_k": item_improving_k,
    }


def reference(user, sq, user_initial_k, user_improving_k, item_improving_k):
    # temp_k = user_initial_k[user, :] -> [SKILL]
    temp_k = user_initial_k[user]
    # user_improving_k[user, :] broadcast against item gathers -> [L, SKILL, KH]
    u = user_improving_k[user]               # [SKILL, KH]
    it = jnp.take(item_improving_k, sq, axis=0)  # [L, SKILL, KH]
    improves = jnp.sum(u[None, :, :] * it, axis=2)  # [L, SKILL]
    improves_k = jax.nn.relu(improves)
    # sequential accumulation: temp_k, temp_k+imp[0], temp_k+imp[0]+imp[1], ...
    cums = temp_k[None, :] + jnp.cumsum(improves_k, axis=0)  # [L, SKILL]
    seq = jnp.concatenate([temp_k[None, :], cums], axis=0)   # [L+1, SKILL]
    out = jax.nn.sigmoid(seq)
    return (out, 0, 0)


if False:  # reference __main__ guard neutralized (emitter)
    inp = setup_inputs()
    out = reference(**inp)
    print(out[0].shape)

if __name__ == "__main__":
    import jax
    _d = setup_inputs()
    print(jax.jit(kernel)(*tuple(_d.values())))

</pallas_src>

<mosaic_0001>
#map = affine_map<(d0, d1) -> (0)>
#map1 = affine_map<(d0, d1) -> (0, 0, 0)>
#map2 = affine_map<(d0, d1) -> (0, 0)>
module attributes {stable_mosaic.version = 14 : i64} {
  func.func @_sc_body(%arg0: i32, %arg1: i32, %arg2: memref<200xi32, #tpu.memory_space<hbm>>, %arg3: memref<5000x64x128xf32, #tpu.memory_space<hbm>>, %arg4: memref<10000x64x128xf32, #tpu.memory_space<hbm>>, %arg5: memref<1xi32, #tpu.memory_space<hbm>>, %arg6: memref<256x128xf32, #tpu.memory_space<hbm>>, %arg7: memref<8xi32, #tpu.memory_space<vmem>>, %arg8: memref<1xi32, #tpu.memory_space<vmem>>, %arg9: memref<8x64x128xf32, #tpu.memory_space<vmem>>, %arg10: memref<1x64x128xf32, #tpu.memory_space<vmem>>, %arg11: memref<8x128xf32, #tpu.memory_space<vmem>>, %arg12: memref<!tpu.dma_semaphore, #tpu.memory_space<semaphore_mem>>, %arg13: memref<!tpu.dma_semaphore, #tpu.memory_space<semaphore_mem>>) attributes {dimension_semantics = [#tpu.dimension_semantics<core_parallel>, #tpu.dimension_semantics<subcore_parallel>], iteration_bounds = array<i64: 2, 16>, scalar_prefetch = 0 : i64, scratch_operands = 7 : i64, tpu.core_type = #tpu.core_type<sc_vector_subcore>, window_params = [{transform_indices = #map}, {transform_indices = #map1}, {transform_indices = #map1}, {transform_indices = #map}, {transform_indices = #map2}]} {
    %mul3A = arith.constant 2 : i32
    %mul3A_0 = arith.muli %arg1, %mul3A : i32
    %add3A = arith.addi %mul3A_0, %arg0 : i32
    %mul3A_1 = arith.constant 8 : i32
    %mul3A_2 = arith.muli %add3A, %mul3A_1 : i32
    %lt3A = arith.constant 25 : i32
    %lt3A_3 = arith.cmpi slt, %add3A, %lt3A : i32
    %convert_element_type3A = arith.extui %lt3A_3 : i1 to i32
    %cond3A = arith.constant 0 : i32
    %cond3A_4 = arith.cmpi ne, %convert_element_type3A, %cond3A : i32
    scf.if %cond3A_4 {
      "tpu.region"() ({
        %run_scoped3A = tpu.sem_alloc : memref<!tpu.dma_semaphore, #tpu.memory_space<semaphore_mem>>
        %dma_start3A_24 = tpu.memref_slice %arg2[%mul3A_2] : memref<200xi32, #tpu.memory_space<hbm>> -> memref<8xi32, #tpu.memory_space<hbm>>
        %dma_start3A_25 = tpu.memref_slice %arg2[%mul3A_2] : memref<200xi32, #tpu.memory_space<hbm>> -> memref<8xi32, #tpu.memory_space<hbm>>
        tpu.enqueue_dma source(%dma_start3A_25 : memref<8xi32, #tpu.memory_space<hbm>>) target(%arg7 : memref<8xi32, #tpu.memory_space<vmem>>) target_semaphore(%run_scoped3A : memref<!tpu.dma_semaphore, #tpu.memory_space<semaphore_mem>>)
        %dma_wait3A_26 = tpu.memref_slice %arg2[%mul3A_2] : memref<200xi32, #tpu.memory_space<hbm>> -> memref<8xi32, #tpu.memory_space<hbm>>
        %dma_wait3A_27 = tpu.memref_slice %arg2[%mul3A_2] : memref<200xi32, #tpu.memory_space<hbm>> -> memref<8xi32, #tpu.memory_space<hbm>>
        tpu.wait_dma2 semaphore(%run_scoped3A : memref<!tpu.dma_semaphore, #tpu.memory_space<semaphore_mem>>) src(%dma_wait3A_27 : memref<8xi32, #tpu.memory_space<hbm>>) dst(%arg7 : memref<8xi32, #tpu.memory_space<vmem>>)
        tpu.yield
      }) : () -> ()
      %dma_start3A = arith.constant 0 : i32
      %dma_start3A_5 = arith.constant 0 : i32
      %dma_start3A_6 = arith.constant 0 : i32
      %dma_start3A_7 = tpu.memref_slice %arg3[%dma_start3A, %dma_start3A_5, %dma_start3A_6] : memref<5000x64x128xf32, #tpu.memory_space<hbm>> -> memref<5000x64x128xf32, #tpu.memory_space<hbm>>
      tpu.enqueue_indirect_dma source(%dma_start3A_7 : memref<5000x64x128xf32, #tpu.memory_space<hbm>>) target(%arg9 : memref<8x64x128xf32, #tpu.memory_space<vmem>>) offsets(%arg7 : memref<8xi32, #tpu.memory_space<vmem>>) semaphore(%arg12 : memref<!tpu.dma_semaphore, #tpu.memory_space<semaphore_mem>>)
      "tpu.region"() ({
        %run_scoped3A = tpu.sem_alloc : memref<!tpu.dma_semaphore, #tpu.memory_space<semaphore_mem>>
        tpu.enqueue_dma source(%arg5 : memref<1xi32, #tpu.memory_space<hbm>>) target(%arg8 : memref<1xi32, #tpu.memory_space<vmem>>) target_semaphore(%run_scoped3A : memref<!tpu.dma_semaphore, #tpu.memory_space<semaphore_mem>>)
        tpu.wait_dma2 semaphore(%run_scoped3A : memref<!tpu.dma_semaphore, #tpu.memory_space<semaphore_mem>>) src(%arg5 : memref<1xi32, #tpu.memory_space<hbm>>) dst(%arg8 : memref<1xi32, #tpu.memory_space<vmem>>)
        tpu.yield
      }) : () -> ()
      %dma_start3A_8 = arith.constant 0 : i32
      %dma_start3A_9 = arith.constant 0 : i32
      %dma_start3A_10 = arith.constant 0 : i32
      %dma_start3A_11 = tpu.memref_slice %arg4[%dma_start3A_8, %dma_start3A_9, %dma_start3A_10] : memref<10000x64x128xf32, #tpu.memory_space<hbm>> -> memref<10000x64x128xf32, #tpu.memory_space<hbm>>
      tpu.enqueue_indirect_dma source(%dma_start3A_11 : memref<10000x64x128xf32, #tpu.memory_space<hbm>>) target(%arg10 : memref<1x64x128xf32, #tpu.memory_space<vmem>>) offsets(%arg8 : memref<1xi32, #tpu.memory_space<vmem>>) semaphore(%arg13 : memref<!tpu.dma_semaphore, #tpu.memory_space<semaphore_mem>>)
      %dma_wait3A = arith.constant 0 : i32
      %dma_wait3A_12 = arith.constant 0 : i32
      %dma_wait3A_13 = arith.constant 0 : i32
      %dma_wait3A_14 = tpu.memref_slice %arg4[%dma_wait3A, %dma_wait3A_12, %dma_wait3A_13] : memref<10000x64x128xf32, #tpu.memory_space<hbm>> -> memref<10000x64x128xf32, #tpu.memory_space<hbm>>
      tpu.wait_indirect_dma semaphore(%arg13 : memref<!tpu.dma_semaphore, #tpu.memory_space<semaphore_mem>>) src(%dma_wait3A_14 : memref<10000x64x128xf32, #tpu.memory_space<hbm>>) dst(%arg10 : memref<1x64x128xf32, #tpu.memory_space<vmem>>)
      %dma_wait3A_15 = arith.constant 0 : i32
      %dma_wait3A_16 = arith.constant 0 : i32
      %dma_wait3A_17 = arith.constant 0 : i32
      %dma_wait3A_18 = tpu.memref_slice %arg3[%dma_wait3A_15, %dma_wait3A_16, %dma_wait3A_17] : memref<5000x64x128xf32, #tpu.memory_space<hbm>> -> memref<5000x64x128xf32, #tpu.memory_space<hbm>>
      tpu.wait_indirect_dma semaphore(%arg12 : memref<!tpu.dma_semaphore, #tpu.memory_space<semaphore_mem>>) src(%dma_wait3A_18 : memref<5000x64x128xf32, #tpu.memory_space<hbm>>) dst(%arg9 : memref<8x64x128xf32, #tpu.memory_space<vmem>>)
      %scan3A = arith.constant 0 : i32
      %scan3A_19 = arith.constant 0 : i32
      %scan3A_20 = arith.constant 8 : i32
      %scan3A_21 = arith.addi %scan3A_19, %scan3A_20 : i32
      %scan3A_22 = arith.constant 1 : i32
      scf.for %scan3A_24 = %scan3A_19 to %scan3A_21 step %scan3A_22  : i32 {
        %mul3A_25 = arith.constant 16 : i32
        %mul3A_26 = arith.muli %scan3A_24, %mul3A_25 : i32
        %broadcast_in_dim3A = arith.constant 0.000000e+00 : f32
        %broadcast_in_dim3A_27 = vector.broadcast %broadcast_in_dim3A : f32 to vector<16xf32>
        %broadcast_in_dim3A_28 = arith.constant 0.000000e+00 : f32
        %broadcast_in_dim3A_29 = vector.broadcast %broadcast_in_dim3A_28 : f32 to vector<16xf32>
        %broadcast_in_dim3A_30 = arith.constant 0.000000e+00 : f32
        %broadcast_in_dim3A_31 = vector.broadcast %broadcast_in_dim3A_30 : f32 to vector<16xf32>
        %broadcast_in_dim3A_32 = arith.constant 0.000000e+00 : f32
        %broadcast_in_dim3A_33 = vector.broadcast %broadcast_in_dim3A_32 : f32 to vector<16xf32>
        %broadcast_in_dim3A_34 = arith.constant 0.000000e+00 : f32
        %broadcast_in_dim3A_35 = vector.broadcast %broadcast_in_dim3A_34 : f32 to vector<16xf32>
        %broadcast_in_dim3A_36 = arith.constant 0.000000e+00 : f32
        %broadcast_in_dim3A_37 = vector.broadcast %broadcast_in_dim3A_36 : f32 to vector<16xf32>
        %broadcast_in_dim3A_38 = arith.constant 0.000000e+00 : f32
        %broadcast_in_dim3A_39 = vector.broadcast %broadcast_in_dim3A_38 : f32 to vector<16xf32>
        %broadcast_in_dim3A_40 = arith.constant 0.000000e+00 : f32
        %broadcast_in_dim3A_41 = vector.broadcast %broadcast_in_dim3A_40 : f32 to vector<16xf32>
        %parallel_loop3A = arith.constant 0 : i32
        %parallel_loop3A_42 = arith.constant 64 : i32
        %parallel_loop3A_43 = arith.constant 1 : i32
        %parallel_loop3A_44:8 = scf.for %parallel_loop3A_76 = %parallel_loop3A to %parallel_loop3A_42 step %parallel_loop3A_43 iter_args(%parallel_loop3A_77 = %broadcast_in_dim3A_27, %parallel_loop3A_78 = %broadcast_in_dim3A_29, %parallel_loop3A_79 = %broadcast_in_dim3A_31, %parallel_loop3A_80 = %broadcast_in_dim3A_33, %parallel_loop3A_81 = %broadcast_in_dim3A_35, %parallel_loop3A_82 = %broadcast_in_dim3A_37, %parallel_loop3A_83 = %broadcast_in_dim3A_39, %parallel_loop3A_84 = %broadcast_in_dim3A_41) -> (vector<16xf32>, vector<16xf32>, vector<16xf32>, vector<16xf32>, vector<16xf32>, vector<16xf32>, vector<16xf32>, vector<16xf32>)  : i32 {
          %parallel_loop3A_85 = arith.constant 0 : i32
          %parallel_loop3A_86 = arith.index_cast %parallel_loop3A_85 : i32 to index
          %parallel_loop3A_87 = arith.index_cast %parallel_loop3A_76 : i32 to index
          %parallel_loop3A_88 = arith.index_cast %mul3A_26 : i32 to index
          %parallel_loop3A_89 = tpu.vector_load %arg10[%parallel_loop3A_86, %parallel_loop3A_87, %parallel_loop3A_88] {strides = array<i32>} : memref<1x64x128xf32, #tpu.memory_space<vmem>>, vector<16xf32>,
          %parallel_loop3A_90 = arith.constant 0 : i32
          %parallel_loop3A_91 = arith.index_cast %parallel_loop3A_90 : i32 to index
          %parallel_loop3A_92 = arith.index_cast %parallel_loop3A_76 : i32 to index
          %parallel_loop3A_93 = arith.index_cast %mul3A_26 : i32 to index
          %parallel_loop3A_94 = tpu.vector_load %arg9[%parallel_loop3A_91, %parallel_loop3A_92, %parallel_loop3A_93] {strides = array<i32>} : memref<8x64x128xf32, #tpu.memory_space<vmem>>, vector<16xf32>,
          %parallel_loop3A_95 = arith.mulf %parallel_loop3A_89, %parallel_loop3A_94 : vector<16xf32>
          %parallel_loop3A_96 = arith.addf %parallel_loop3A_77, %parallel_loop3A_95 : vector<16xf32>
          %parallel_loop3A_97 = arith.constant 1 : i32
          %parallel_loop3A_98 = arith.index_cast %parallel_loop3A_97 : i32 to index
          %parallel_loop3A_99 = arith.index_cast %parallel_loop3A_76 : i32 to index
          %parallel_loop3A_100 = arith.index_cast %mul3A_26 : i32 to index
          %parallel_loop3A_101 = tpu.vector_load %arg9[%parallel_loop3A_98, %parallel_loop3A_99, %parallel_loop3A_100] {strides = array<i32>} : memref<8x64x128xf32, #tpu.memory_space<vmem>>, vector<16xf32>,
          %parallel_loop3A_102 = arith.mulf %parallel_loop3A_89, %parallel_loop3A_101 : vector<16xf32>
          %parallel_loop3A_103 = arith.addf %parallel_loop3A_78, %parallel_loop3A_102 : vector<16xf32>
          %parallel_loop3A_104 = arith.constant 2 : i32
          %parallel_loop3A_105 = arith.index_cast %parallel_loop3A_104 : i32 to index
          %parallel_loop3A_106 = arith.index_cast %parallel_loop3A_76 : i32 to index
          %parallel_loop3A_107 = arith.index_cast %mul3A_26 : i32 to index
          %parallel_loop3A_108 = tpu.vector_load %arg9[%parallel_loop3A_105, %parallel_loop3A_106, %parallel_loop3A_107] {strides = array<i32>} : memref<8x64x128xf32, #tpu.memory_space<vmem>>, vector<16xf32>,
          %parallel_loop3A_109 = arith.mulf %parallel_loop3A_89, %parallel_loop3A_108 : vector<16xf32>
          %parallel_loop3A_110 = arith.addf %parallel_loop3A_79, %parallel_loop3A_109 : vector<16xf32>
          %parallel_loop3A_111 = arith.constant 3 : i32
          %parallel_loop3A_112 = arith.index_cast %parallel_loop3A_111 : i32 to index
          %parallel_loop3A_113 = arith.index_cast %parallel_loop3A_76 : i32 to index
          %parallel_loop3A_114 = arith.index_cast %mul3A_26 : i32 to index
          %parallel_loop3A_115 = tpu.vector_load %arg9[%parallel_loop3A_112, %parallel_loop3A_113, %parallel_loop3A_114] {strides = array<i32>} : memref<8x64x128xf32, #tpu.memory_space<vmem>>, vector<16xf32>,
          %parallel_loop3A_116 = arith.mulf %parallel_loop3A_89, %parallel_loop3A_115 : vector<16xf32>
          %parallel_loop3A_117 = arith.addf %parallel_loop3A_80, %parallel_loop3A_116 : vector<16xf32>
          %parallel_loop3A_118 = arith.constant 4 : i32
          %parallel_loop3A_119 = arith.index_cast %parallel_loop3A_118 : i32 to index
          %parallel_loop3A_120 = arith.index_cast %parallel_loop3A_76 : i32 to index
          %parallel_loop3A_121 = arith.index_cast %mul3A_26 : i32 to index
          %parallel_loop3A_122 = tpu.vector_load %arg9[%parallel_loop3A_119, %parallel_loop3A_120, %parallel_loop3A_121] {strides = array<i32>} : memref<8x64x128xf32, #tpu.memory_space<vmem>>, vector<16xf32>,
          %parallel_loop3A_123 = arith.mulf %parallel_loop3A_89, %parallel_loop3A_122 : vector<16xf32>
          %parallel_loop3A_124 = arith.addf %parallel_loop3A_81, %parallel_loop3A_123 : vector<16xf32>
          %parallel_loop3A_125 = arith.constant 5 : i32
          %parallel_loop3A_126 = arith.index_cast %parallel_loop3A_125 : i32 to index
          %parallel_loop3A_127 = arith.index_cast %parallel_loop3A_76 : i32 to index
          %parallel_loop3A_128 = arith.index_cast %mul3A_26 : i32 to index
          %parallel_loop3A_129 = tpu.vector_load %arg9[%parallel_loop3A_126, %parallel_loop3A_127, %parallel_loop3A_128] {strides = array<i32>} : memref<8x64x128xf32, #tpu.memory_space<vmem>>, vector<16xf32>,
          %parallel_loop3A_130 = arith.mulf %parallel_loop3A_89, %parallel_loop3A_129 : vector<16xf32>
          %parallel_loop3A_131 = arith.addf %parallel_loop3A_82, %parallel_loop3A_130 : vector<16xf32>
          %parallel_loop3A_132 = arith.constant 6 : i32
          %parallel_loop3A_133 = arith.index_cast %parallel_loop3A_132 : i32 to index
          %parallel_loop3A_134 = arith.index_cast %parallel_loop3A_76 : i32 to index
          %parallel_loop3A_135 = arith.index_cast %mul3A_26 : i32 to index
          %parallel_loop3A_136 = tpu.vector_load %arg9[%parallel_loop3A_133, %parallel_loop3A_134, %parallel_loop3A_135] {strides = array<i32>} : memref<8x64x128xf32, #tpu.memory_space<vmem>>, vector<16xf32>,
          %parallel_loop3A_137 = arith.mulf %parallel_loop3A_89, %parallel_loop3A_136 : vector<16xf32>
          %parallel_loop3A_138 = arith.addf %parallel_loop3A_83, %parallel_loop3A_137 : vector<16xf32>
          %parallel_loop3A_139 = arith.constant 7 : i32
          %parallel_loop3A_140 = arith.index_cast %parallel_loop3A_139 : i32 to index
          %parallel_loop3A_141 = arith.index_cast %parallel_loop3A_76 : i32 to index
          %parallel_loop3A_142 = arith.index_cast %mul3A_26 : i32 to index
          %parallel_loop3A_143 = tpu.vector_load %arg9[%parallel_loop3A_140, %parallel_loop3A_141, %parallel_loop3A_142] {strides = array<i32>} : memref<8x64x128xf32, #tpu.memory_space<vmem>>, vector<16xf32>,
          %parallel_loop3A_144 = arith.mulf %parallel_loop3A_89, %parallel_loop3A_143 : vector<16xf32>
          %parallel_loop3A_145 = arith.addf %parallel_loop3A_84, %parallel_loop3A_144 : vector<16xf32>
          scf.yield %parallel_loop3A_96, %parallel_loop3A_103, %parallel_loop3A_110, %parallel_loop3A_117, %parallel_loop3A_124, %parallel_loop3A_131, %parallel_loop3A_138, %parallel_loop3A_145 : vector<16xf32>, vector<16xf32>, vector<16xf32>, vector<16xf32>, vector<16xf32>, vector<16xf32>, vector<16xf32>, vector<16xf32>
        } {sc.loop_unroll_factor = 4 : i64, sc.parallel_access}
        %swap3A = arith.constant 0 : i32
        %swap3A_45 = arith.index_cast %swap3A : i32 to index
        %swap3A_46 = arith.index_cast %mul3A_26 : i32 to index
        %swap3A_47 = tpu.vector_load %arg11[%swap3A_45, %swap3A_46] {strides = array<i32>} : memref<8x128xf32, #tpu.memory_space<vmem>>, vector<16xf32>,
        tpu.vector_store %arg11[%swap3A_45, %swap3A_46], %parallel_loop3A_44#0 {strides = array<i32>} : memref<8x128xf32, #tpu.memory_space<vmem>>, vector<16xf32>,
        %swap3A_48 = arith.constant 1 : i32
        %swap3A_49 = arith.index_cast %swap3A_48 : i32 to index
        %swap3A_50 = arith.index_cast %mul3A_26 : i32 to index
        %swap3A_51 = tpu.vector_load %arg11[%swap3A_49, %swap3A_50] {strides = array<i32>} : memref<8x128xf32, #tpu.memory_space<vmem>>, vector<16xf32>,
        tpu.vector_store %arg11[%swap3A_49, %swap3A_50], %parallel_loop3A_44#1 {strides = array<i32>} : memref<8x128xf32, #tpu.memory_space<vmem>>, vector<16xf32>,
        %swap3A_52 = arith.constant 2 : i32
        %swap3A_53 = arith.index_cast %swap3A_52 : i32 to index
        %swap3A_54 = arith.index_cast %mul3A_26 : i32 to index
        %swap3A_55 = tpu.vector_load %arg11[%swap3A_53, %swap3A_54] {strides = array<i32>} : memref<8x128xf32, #tpu.memory_space<vmem>>, vector<16xf32>,
        tpu.vector_store %arg11[%swap3A_53, %swap3A_54], %parallel_loop3A_44#2 {strides = array<i32>} : memref<8x128xf32, #tpu.memory_space<vmem>>, vector<16xf32>,
        %swap3A_56 = arith.constant 3 : i32
        %swap3A_57 = arith.index_cast %swap3A_56 : i32 to index
        %swap3A_58 = arith.index_cast %mul3A_26 : i32 to index
        %swap3A_59 = tpu.vector_load %arg11[%swap3A_57, %swap3A_58] {strides = array<i32>} : memref<8x128xf32, #tpu.memory_space<vmem>>, vector<16xf32>,
        tpu.vector_store %arg11[%swap3A_57, %swap3A_58], %parallel_loop3A_44#3 {strides = array<i32>} : memref<8x128xf32, #tpu.memory_space<vmem>>, vector<16xf32>,
        %swap3A_60 = arith.constant 4 : i32
        %swap3A_61 = arith.index_cast %swap3A_60 : i32 to index
        %swap3A_62 = arith.index_cast %mul3A_26 : i32 to index
        %swap3A_63 = tpu.vector_load %arg11[%swap3A_61, %swap3A_62] {strides = array<i32>} : memref<8x128xf32, #tpu.memory_space<vmem>>, vector<16xf32>,
        tpu.vector_store %arg11[%swap3A_61, %swap3A_62], %parallel_loop3A_44#4 {strides = array<i32>} : memref<8x128xf32, #tpu.memory_space<vmem>>, vector<16xf32>,
        %swap3A_64 = arith.constant 5 : i32
        %swap3A_65 = arith.index_cast %swap3A_64 : i32 to index
        %swap3A_66 = arith.index_cast %mul3A_26 : i32 to index
        %swap3A_67 = tpu.vector_load %arg11[%swap3A_65, %swap3A_66] {strides = array<i32>} : memref<8x128xf32, #tpu.memory_space<vmem>>, vector<16xf32>,
        tpu.vector_store %arg11[%swap3A_65, %swap3A_66], %parallel_loop3A_44#5 {strides = array<i32>} : memref<8x128xf32, #tpu.memory_space<vmem>>, vector<16xf32>,
        %swap3A_68 = arith.constant 6 : i32
        %swap3A_69 = arith.index_cast %swap3A_68 : i32 to index
        %swap3A_70 = arith.index_cast %mul3A_26 : i32 to index
        %swap3A_71 = tpu.vector_load %arg11[%swap3A_69, %swap3A_70] {strides = array<i32>} : memref<8x128xf32, #tpu.memory_space<vmem>>, vector<16xf32>,
        tpu.vector_store %arg11[%swap3A_69, %swap3A_70], %parallel_loop3A_44#6 {strides = array<i32>} : memref<8x128xf32, #tpu.memory_space<vmem>>, vector<16xf32>,
        %swap3A_72 = arith.constant 7 : i32
        %swap3A_73 = arith.index_cast %swap3A_72 : i32 to index
        %swap3A_74 = arith.index_cast %mul3A_26 : i32 to index
        %swap3A_75 = tpu.vector_load %arg11[%swap3A_73, %swap3A_74] {strides = array<i32>} : memref<8x128xf32, #tpu.memory_space<vmem>>, vector<16xf32>,
        tpu.vector_store %arg11[%swap3A_73, %swap3A_74], %parallel_loop3A_44#7 {strides = array<i32>} : memref<8x128xf32, #tpu.memory_space<vmem>>, vector<16xf32>,
      }
      %scan3A_23 = arith.constant 8 : i32
      "tpu.region"() ({
        %run_scoped3A = tpu.sem_alloc : memref<!tpu.dma_semaphore, #tpu.memory_space<semaphore_mem>>
        %dma_start3A_24 = arith.constant 0 : i32
        %dma_start3A_25 = tpu.memref_slice %arg6[%mul3A_2, %dma_start3A_24] : memref<256x128xf32, #tpu.memory_space<hbm>> -> memref<8x128xf32, #tpu.memory_space<hbm>>
        %dma_start3A_26 = arith.constant 0 : i32
        %dma_start3A_27 = tpu.memref_slice %arg6[%mul3A_2, %dma_start3A_26] : memref<256x128xf32, #tpu.memory_space<hbm>> -> memref<8x128xf32, #tpu.memory_space<hbm>>
        tpu.enqueue_dma source(%arg11 : memref<8x128xf32, #tpu.memory_space<vmem>>) target(%dma_start3A_27 : memref<8x128xf32, #tpu.memory_space<hbm>>) target_semaphore(%run_scoped3A : memref<!tpu.dma_semaphore, #tpu.memory_space<semaphore_mem>>)
        %dma_wait3A_28 = arith.constant 0 : i32
        %dma_wait3A_29 = tpu.memref_slice %arg6[%mul3A_2, %dma_wait3A_28] : memref<256x128xf32, #tpu.memory_space<hbm>> -> memref<8x128xf32, #tpu.memory_space<hbm>>
        %dma_wait3A_30 = arith.constant 0 : i32
        %dma_wait3A_31 = tpu.memref_slice %arg6[%mul3A_2, %dma_wait3A_30] : memref<256x128xf32, #tpu.memory_space<hbm>> -> memref<8x128xf32, #tpu.memory_space<hbm>>
        tpu.wait_dma2 semaphore(%run_scoped3A : memref<!tpu.dma_semaphore, #tpu.memory_space<semaphore_mem>>) src(%arg11 : memref<8x128xf32, #tpu.memory_space<vmem>>) dst(%dma_wait3A_31 : memref<8x128xf32, #tpu.memory_space<hbm>>)
        tpu.yield
      }) : () -> ()
    } else {
    }
    return
  }
}

module attributes {stable_mosaic.version = 14 : i64} {
  func.func @_tc_body(%arg0: memref<256x128xf32, #tpu.memory_space<vmem>>, %arg1: memref<1x128xf32, #tpu.memory_space<vmem>>, %arg2: memref<201x128xf32, #tpu.memory_space<vmem>>) attributes {dimension_semantics = [], scalar_prefetch = 0 : i64, scratch_operands = 0 : i64, tpu.core_type = #tpu.core_type<tc>} {
    %iota3A = tpu.iota {dimensions = array<i32: 0>} : vector<256x256xi32>
    %iota3A_0 = tpu.iota {dimensions = array<i32: 1>} : vector<256x256xi32>
    %lt3A = arith.cmpi slt, %iota3A_0, %iota3A : vector<256x256xi32>
    %jit3A = arith.constant 1.000000e+00 : f32
    %jit3A_1 = arith.constant 0.000000e+00 : f32
    %broadcast_in_dim3A = vector.broadcast %jit3A : f32 to vector<256x256xf32>
    %broadcast_in_dim3A_2 = vector.broadcast %jit3A_1 : f32 to vector<256x256xf32>
    %select_n3A = arith.select %lt3A, %broadcast_in_dim3A, %broadcast_in_dim3A_2 : vector<256x256xi1>, vector<256x256xf32>
    %iota3A_3 = tpu.iota {dimensions = array<i32: 0>} : vector<256x128xi32>
    %lt3A_4 = arith.constant 200 : i32
    %lt3A_5 = vector.broadcast %lt3A_4 : i32 to vector<256x128xi32>
    %lt3A_6 = arith.cmpi slt, %iota3A_3, %lt3A_5 : vector<256x128xi32>
    %get3A = arith.constant 0 : index
    %get3A_7 = arith.constant 0 : index
    %get3A_8 = vector.load %arg0[%get3A, %get3A_7] : memref<256x128xf32, #tpu.memory_space<vmem>>, vector<256x128xf32>
    %max3A = arith.constant 0.000000e+00 : f32
    %max3A_9 = vector.broadcast %max3A : f32 to vector<256x128xf32>
    %max3A_10 = arith.maximumf %get3A_8, %max3A_9 : vector<256x128xf32>
    %jit3A_11 = arith.constant 0.000000e+00 : f32
    %broadcast_in_dim3A_12 = vector.broadcast %jit3A_11 : f32 to vector<256x128xf32>
    %select_n3A_13 = arith.select %lt3A_6, %max3A_10, %broadcast_in_dim3A_12 : vector<256x128xi1>, vector<256x128xf32>
    %dot_general3A = arith.constant dense<0.000000e+00> : vector<256x128xf32>
    %dot_general3A_14 = tpu.matmul %select_n3A, %select_n3A_13, %dot_general3A {dimension_numbers = #tpu.dot_dimension_numbers<[1], [0], [0], [1], [0, 0, 1, 1], [], []>, transpose_lhs_hint = false} : vector<256x256xf32>, vector<256x128xf32>, vector<256x128xf32> -> vector<256x128xf32>
    %get3A_15 = arith.constant 0 : index
    %get3A_16 = arith.constant 0 : index
    %get3A_17 = vector.load %arg1[%get3A_15, %get3A_16] : memref<1x128xf32, #tpu.memory_space<vmem>>, vector<1x128xf32>
    %add3A = vector.broadcast %get3A_17 : vector<1x128xf32> to vector<256x128xf32>
    %add3A_18 = arith.addf %dot_general3A_14, %add3A : vector<256x128xf32>
    %logistic3A = arith.negf %add3A_18 : vector<256x128xf32>
    %logistic3A_19 = math.exp %logistic3A : vector<256x128xf32>
    %logistic3A_20 = arith.constant 1.000000e+00 : f32
    %logistic3A_21 = vector.broadcast %logistic3A_20 : f32 to vector<256x128xf32>
    %logistic3A_22 = arith.addf %logistic3A_21, %logistic3A_19 : vector<256x128xf32>
    %logistic3A_23 = arith.divf %logistic3A_21, %logistic3A_22 : vector<256x128xf32>
    %slice3A = vector.extract_strided_slice %logistic3A_23 {offsets = [0, 0], sizes = [201, 128], strides = [1, 1]} : vector<256x128xf32> to vector<201x128xf32>
    %swap3A = arith.constant 0 : index
    %swap3A_24 = arith.constant 0 : index
    %swap3A_25 = vector.load %arg2[%swap3A, %swap3A_24] : memref<201x128xf32, #tpu.memory_space<vmem>>, vector<201x128xf32>
    tpu.vector_store %arg2[%swap3A, %swap3A_24], %slice3A {strides = array<i32>} : memref<201x128xf32, #tpu.memory_space<vmem>>, vector<201x128xf32>,
    return
  }
}

</mosaic_0001>

<sc_bundles>
// kernel: kernel.4.cloned.1.call-start
scs
__scs_entry_jumppad:
0x0: {  	(pc) =	sbr.rel $0x88, $3  }
0x1: {  	(tag) =	ssettag $0x0;
	lr =	simm.s32 $0x1  }
0x2: {  	[smem:$0x3F9C] =	sst lr;
	_ =	strace $0xD0000000  }
0x3: {  	_ = 	snop  }
0x4: {  	_ = 	snop  }
0x5: {  	_ = 	snop  }
0x6: {  	_ = 	snop  }
0x7: {  	_ = 	snop  }
__scs_overlays_trampoline_lowered:
0x8: {  	[smem:$0x3FAB] =	sst s0  }
0x9: {  	[smem:$0x3FAC] =	sst s1  }
0xa: {  	[smem:$0x3FAD] =	sst s2  }
0xb: {  	[smem:$0x3FAE] =	sst s3  }
0xc: {  	[smem:$0x3FAF] =	sst s4  }
0xd: {  	[smem:$0x3FB0] =	sst s5  }
0xe: {  	[smem:$0x3FB1] =	sst s6  }
0xf: {  	[smem:$0x3FB2] =	sst s7  }
0x10: {  	[smem:$0x3FB3] =	sst s8  }
0x11: {  	[smem:$0x3FB4] =	sst s9;
	s0 =	simm.s32 @!p0 $0x0  }
0x12: {  	s1 =	sld [smem:$0x3F9A];
	s0 =	simm.s32 @p0 $0x1  }
0x13: {  	[smem:$0x3FB5] =	sst s0;
	s0 =	simm.s32 @!p1 $0x0  }
0x14: {  	s2 =	sld [smem:$0x3F99];
	s0 =	simm.s32 @p1 $0x1  }
0x15: {  	[smem:$0x3FB6] =	sst s0;
	s0 =	simm.s32 @!p2 $0x0  }
0x16: {  	s3 =	sld [smem:$0x3FDB];
	s0 =	simm.s32 @p2 $0x1  }
0x17: {  	s4 =	simm.s32 $0x1BF5;
	[smem:$0x3FB8] =	sst s0  }
0x18: {  	s0 =	sld [smem:$0x3F9B];
	_ =	swait.ge [sflag:s4], $0x0  }
0x19: {  	s7 =	sld [smem:$0x3F9C]  }
0x1a: {  	s8 =	sadd.s32 $0xFFFFE003, lr  }
0x1b: {  	s9 =	sadd.s32 $0xFFFFFEF7, lr;
	s5 =	simm.s32 $0xFFFFFFFF;
	p2 =	slt.u32 s8, $0xFFFFF086  }
0x1c: {  	p1 =	slt.u32 s9, $0xF7A;
	s5 =	simm.s32 @!p2 $0x0  }
0x1d: {  	s5 =	simm.s32 @p1 $0x1;
	p0 =	seq.s32 s7, s2  }
0x1e: {  	s7 =	smul.u32 @!p0 $0xF7A, s2;
	p2 =	seq.s32 @!p0 s5, $0x0  }
0x1f: {  	s9 =	smul.u32 $0xF7A, s1;
	s8 =	simm.s32 @!p0 $0x1BF5;
	p2 =	por !p2, p0  }
0x20: {  	[sflag:s8] =	ssyncset.s32 @!p0 $0xFFFFF086;
	s6 =	sadd.s32 @!p0 s3, s7;
	s7 =	simm.s32 @!p0 $0x108  }
0x21: {  	s3 =	sadd.s32 s3, s9;
	s6 =	sadd.s32 @!p0 $0x88, s6;
	s7 =	simm.s32 @p2 $0x1082  }
0x22: {  	[simem:s7], [sflag:s8] =	dma.local @!p0 [hbm:s6], $0xF7A  }
0x23: {  	s9 =	sor.u32 $0xD0000000, s2;
	s6 =	simm.s32 $0x108;
	_ =	swait.ge @!p0 [sflag:s8], $0x0  }
0x24: {  	s3 =	sadd.s32 $0x88, s3;
	s6 =	simm.s32 @!p1 $0x1082;
	[sflag:s4] =	ssyncset.s32 $0xFFFFF086  }
0x25: {  	[simem:s6], [sflag:s4] =	dma.local [hbm:s3], $0xF7A  }
0x26: {  	[smem:$0x3F9C] =	sst s1;
	(tag) =	ssettag s2;
	_ =	strace s9  }
0x27: {  	s1 =	sld [smem:$0x3FAC]  }
0x28: {  	s2 =	sld [smem:$0x3FAD]  }
0x29: {  	s4 =	sld [smem:$0x3FAF]  }
0x2a: {  	p0 =	seq.s32 s5, $0x0;
	s5 =	sld [smem:$0x3FB0]  }
0x2b: {  	s6 =	sld [smem:$0x3FB1]  }
0x2c: {  	s7 =	sld [smem:$0x3FB2]  }
0x2d: {  	s3 =	simm.s32 $0x108;
	s8 =	sld [smem:$0x3FB3]  }
0x2e: {  	s3 =	simm.s32 @!p0 $0x1082;
	s9 =	sld [smem:$0x3FB4]  }
0x2f: {  	lr =	sadd.s32 s0, s3;
	s0 =	sld [smem:$0x3FAB]  }
0x30: {  	s3 =	sld [smem:$0x3FAE]  }
0x31: {  	[smem:$0x3FB7] =	sst s10  }
0x32: {  	s10 =	sld [smem:$0x3FB5];
	_ =	sdelay $0x3  }
0x33: {  	p0 =	seq.s32 s10, $0x1;
	s10 =	sld [smem:$0x3FB7];
	_ =	sdelay $0x3  }
0x34: {  	[smem:$0x3FB7] =	sst s10  }
0x35: {  	s10 =	sld [smem:$0x3FB6];
	_ =	sdelay $0x3  }
0x36: {  	p1 =	seq.s32 s10, $0x1;
	s10 =	sld [smem:$0x3FB7];
	_ =	sdelay $0x3  }
0x37: {  	[smem:$0x3FB7] =	sst s10  }
0x38: {  	s10 =	sld [smem:$0x3FB8]  }
0x39: {  	_ = 	snop;
	(pc) =	sbr.ind lr, $3  }
0x3a: {  	_ = 	snop  }
0x3b: {  	_ = 	snop  }
0x3c: {  	p2 =	seq.s32 s10, $0x1;
	s10 =	sld [smem:$0x3FB7]  }
0x3d: {  	_ =	shalt  }
0x3e: {  	_ =	shalt  }
0x3f: {  	_ =	shalt  }
0x40: {  	_ =	shalt  }
0x41: {  	_ =	shalt  }
0x42: {  	_ =	shalt  }
0x43: {  	_ =	shalt  }
0x44: {  	_ =	shalt  }
0x45: {  	_ =	shalt  }
0x46: {  	_ =	shalt  }
0x47: {  	_ =	shalt  }
0x48: {  	_ =	shalt  }
0x49: {  	_ =	shalt  }
0x4a: {  	_ =	shalt  }
0x4b: {  	_ =	shalt  }
0x4c: {  	_ =	shalt  }
0x4d: {  	_ =	shalt  }
0x4e: {  	_ =	shalt  }
0x4f: {  	_ =	shalt  }
0x50: {  	_ =	shalt  }
0x51: {  	_ =	shalt  }
0x52: {  	_ =	shalt  }
0x53: {  	_ =	shalt  }
0x54: {  	_ =	shalt  }
0x55: {  	_ =	shalt  }
0x56: {  	_ =	shalt  }
0x57: {  	_ =	shalt  }
0x58: {  	_ =	shalt  }
0x59: {  	_ =	shalt  }
0x5a: {  	_ =	shalt  }
0x5b: {  	_ =	shalt  }
0x5c: {  	_ =	shalt  }
0x5d: {  	_ =	shalt  }
0x5e: {  	_ =	shalt  }
0x5f: {  	_ =	shalt  }
0x60: {  	_ =	shalt  }
0x61: {  	_ =	shalt  }
0x62: {  	_ =	shalt  }
0x63: {  	_ =	shalt  }
0x64: {  	_ =	shalt  }
0x65: {  	_ =	shalt  }
0x66: {  	_ =	shalt  }
0x67: {  	_ =	shalt  }
0x68: {  	_ =	shalt  }
0x69: {  	_ =	shalt  }
0x6a: {  	_ =	shalt  }
0x6b: {  	_ =	shalt  }
0x6c: {  	_ =	shalt  }
0x6d: {  	_ =	shalt  }
0x6e: {  	_ =	shalt  }
0x6f: {  	_ =	shalt  }
0x70: {  	_ =	shalt  }
0x71: {  	_ =	shalt  }
0x72: {  	_ =	shalt  }
0x73: {  	_ =	shalt  }
0x74: {  	_ =	shalt  }
0x75: {  	_ =	shalt  }
0x76: {  	_ =	shalt  }
0x77: {  	_ =	shalt  }
0x78: {  	_ =	shalt  }
0x79: {  	_ =	shalt  }
0x7a: {  	_ =	shalt  }
0x7b: {  	_ =	shalt  }
0x7c: {  	_ =	shalt  }
0x7d: {  	_ =	shalt  }
0x7e: {  	_ =	shalt  }
0x7f: {  	_ =	shalt  }
0x80: {  	_ =	shalt  }
0x81: {  	_ =	shalt  }
0x82: {  	_ =	shalt  }
0x83: {  	_ =	shalt  }
0x84: {  	_ =	shalt  }
0x85: {  	_ =	shalt  }
0x86: {  	_ =	shalt  }
0x87: {  	_ =	shalt  }
.Lfunc_end0:
.L_simem_size_0:
called_computation_lowered:
.L_overlay_start_0:
0x88: {  	s2 =	sld [smem:$0x3FD9]  }
0x89: {  	s3 =	sld [smem:$0x3FFE];
	_ =	sdelay $0x1  }
0x8a: {  	s1 =	srdreg.scid  }
0x8b: {  	s0 =	sand.u32 $0x1, s1  }
0x8c: {  	s17 =	sshll.u32 s0, $0xA;
	s2 =	sadd.s32 s3, s2  }
0x8d: {  	s2 =	sadd.s32 s2, s17  }
0x8e: {  	[smem:$0x3FC3] =	sst s2  }
0x8f: {  	_ = 	snop  }
0x90: {  	s2 =	sld [smem:$0x3FC9]  }
0x91: {  	s18 =	sld [smem:$0x3FC8]  }
0x92: {  	s4 =	sld [smem:$0x3FC6]  }
0x93: {  	s5 =	sld [smem:$0x3FC5];
	(tm) =	ssettm $0x1  }
0x94: {  	s6 =	sld [smem:$0x3FFB];
	_ =	sdelay $0x3  }
0x95: {  	_ =	strace s6  }
0x96: {  	s6 =	sld [smem:$0x3FFC];
	_ =	sdelay $0x3  }
0x97: {  	_ =	strace s6  }
0x98: {  	s6 =	sld [smem:$0x3FFD];
	_ =	sdelay $0x3  }
0x99: {  	_ =	strace s6  }
0x9a: {  	_ =	strace $0x8FFFFFFF  }
0x9b: {  	s19 =	sld [smem:$0x3FDB];
	_ =	sdelay $0x1  }
0x9c: {  	s7 =	simm.s32 $_scs_section_size  }
0x9d: {  	s8 =	simm.s32 $_size__tile_overlayer_lowered;
	s9 =	simm.s32 $_tile_overlayer_lowered  }
0x9e: {  	s22 =	simm.s32 $0x1BFF;
	s21 =	sshll.u32 s9, $0x1;
	s6 =	sadd.s32 s7, s19  }
0x9f: {  	s10 =	simm.s32 $0x0;
	s20 =	sshll.u32 s8, $0x1;
	s8 =	sadd.s32 s21, s6  }
0xa0: {  	[timem:s10], [sflag:s22] =	dma.local [hbm:s8], s20  }
0xa1: {  	_ =	swait.ge [sflag:s22], s20  }
0xa2: {  	s7 =	ssub.s32 $0x0, s20;
	[sflag:s22] =	ssyncset.done $0x0  }
0xa3: {  	[sflag:s22] =	ssyncadd.s32 s7;
	_ =	sdelay $0x1  }
0xa4: {  	s23 =	simm.s32 $0x1B8B  }
0xa5: {  	_ =	swait.ge [sflag:s23], $0x1  }
0xa6: {  	[sflag:s23] =	ssyncset.done $0x0  }
0xa7: {  	s25 =	simm.s32 $0x1B8E;
	s24 =	sld [smem:$0x3FFE];
	[sflag:s23] =	ssyncadd.s32 $0xFFFFFFFF  }
0xa8: {  	s26 =	simm.s32 $execute0_lowered;
	[smem:$0x3FD2] =	sst s25  }
0xa9: {  	s8 =	sshll.u32 s26, $0x1;
	_ =	strace $0x80000046;
	[dreg:$0x1] =	wrdreg $0xFFFFFFFF  }
0xaa: {  	s28 =	simm.s32 $_size_execute0_lowered;
	s6 =	sadd.s32 s6, s8;
	[dreg:$0x0] =	wrdreg $0x0  }
0xab: {  	s8 =	sshll.u32 s28, $0x1;
	[dreg:$0x2] =	wrdreg s6  }
0xac: {  	[dreg:$0x3] =	wrdreg s8  }
0xad: {  	[dreg:$0x4] =	wrdreg $0xC0  }
0xae: {  	_ =	task [dreg:s10], $0x5FFFF  }
0xaf: {  	[dreg:$0x1] =	wrdreg $0xFFFFFFFF  }
0xb0: {  	[dreg:$0x0] =	wrdreg $0x60  }
0xb1: {  	[dreg:$0x2] =	wrdreg s18  }
0xb2: {  	[dreg:$0x3] =	wrdreg s5  }
0xb3: {  	[dreg:$0x4] =	wrdreg s4  }
0xb4: {  	[dreg:$0x5] =	wrdreg s2  }
0xb5: {  	[dreg:$0x6] =	wrdreg s24  }
0xb6: {  	[dreg:$0x7] =	wrdreg $0x9  }
0xb7: {  	_ =	task.clear_ibuf [dreg:s10], $0x8FFFF;
	_ =	strace $0x90000046  }
0xb8: {  	s29 =	simm.s32 $0x9;
	_ =	strace $0x80000048  }
0xb9: {  	_ =	swait.ge [sflag:s29], $0x1  }
0xba: {  	[sflag:s29] =	ssyncadd.s32 $0xFFFFFFFF  }
0xbb: {  	_ =	strace $0x90000048  }
0xbc: {  	_ =	sfence  }
0xbd: {  	s30 =	sld [smem:$0x0];
	_ =	sdelay $0x2  }
0xbe: {  	s31 =	sshll.u32 s1, $0xD;
	s1 =	sshrl.u32 s1, $0x2  }
0xbf: {  	s3 =	sand.u32 $0x4000, s31;
	s1 =	sadd.s32 s1, s30  }
0xc0: {  	s0 =	sor.u32 s3, s0;
	s1 =	sshll.u32 s1, $0x11  }
0xc1: {  	s0 =	sor.u32 s1, s0  }
0xc2: {  	s0 =	sadd.s32 $0x8F2B, s0  }
0xc3: {  	[sflag:s0] =	ssyncadd.remote.s32 $0x1  }
0xc4: {  	_ =	sfence.sel $0xFFFF  }
0xc5: {  	[dreg:$0x0] =	wrdreg $0xFFFFFFFF;
	(pc) =	sbr.abs _section_cstart, $3  }
0xc6: {  	[dreg:$0x1] =	wrdreg $0xFFFFFFFF  }
0xc7: {  	_ =	task.clear_ibuf [dreg:s10], $0x2FFFF;
	_ =	strace $0x9FFFFFFF  }
0xc8: {  	(tm) =	ssettm $0x7FFFFFFF  }
0xc9: {  	_ =	shalt  }
tec
execute0_lowered:
.L_overlay_start_1:
0x0: {  	(tag) =	ssettag $0x1  }
0x1: {  	s3 =	srdreg.scid;
	s0 =	stileid.u32  }
0x2: {  	s9 =	sand.u32 $0x1, s3;
	s8 =	sshll.u32 s0, $0x1  }
0x3: {  	s7 =	rddreg [dreg:$0x0];
	s8 =	sor.u32 s9, s8  }
0x4: {  	s1 =	rddreg [dreg:$0x1];
	p0 =	sgt.u32 s8, $0x18  }
.Ltmp0:
0x5: {  	s2 =	rddreg [dreg:$0x2];
	(pc) =	sbr.rel @p0 .LBB2_7-.Ltmp0, $4  }
0x6: {  	s4 =	rddreg [dreg:$0x3]  }
0x7: {  	s6 =	rddreg [dreg:$0x4];
	s5 =	simm.s32 $0x0  }
0x8: {  	[smem:$0x7FF] =	sst s5  }
0x9: {  	s3 =	rddreg [dreg:$0x5];
	_ =	strace $0x80000047  }
0xa: {  	s9 =	ssub.s32 $0x2, s9;
	s10 =	sshll.u32 s8, $0x7  }
0xb: {  	s7 =	sadd.s32 s7, s8;
	s12 =	simm.s32 $0x80;
	s13 =	simm.s32 $0x1  }
0xc: {  	s14 =	simm.s32 $0x10100;
	s15 =	simm.s32 $0x2;
	s16 =	simm.s32 $0x12100  }
0xd: {  	s17 =	simm.s32 $0x0;
	s11 =	sshrl.u32 s9, $0x1;
	s6 =	sadd.s32 s10, s6  }
0xe: {  	s10 =	simm.s32 $0x8;
	s9 =	ssub.s32 s9, s11;
	s6 =	sadd.s32 $0x800, s6  }
0xf: {  	s11 =	simm.s32 $0x100;
	s8 =	smax.u32 s9, $0x1;
	s9 =	simm.s32 $0x3  }
.LBB2_2:
0x10: {  	s18 =	simm.s32 $0x0  }
0x11: {  	[tilespmem:s18], [sflag:$0x3] =	stream.linear.gather [hbm4b:s7+s18], $0x8, $0x38;
	[tilespmem:$0x12500] =	vst v63  }
0x12: {  	_ =	swait.ge [sflag:s9], $0x8  }
0x13: {  	[sflag:s9] =	ssyncset.done $0x0  }
0x14: {  	[sflag:s9] =	ssyncadd.s32 $0xFFFFFFF8  }
0x15: {  	[tilespmem:s11], [sflag:$0x1] =	stream.indirect.gather [hbm4b:s1+s10], $0x2000, s18, s10, $0xb8;
	[tilespmem:$0x12500] =	vst v63  }
0x16: {  	_ = 	snop  }
0x17: {  	[tilespmem:s12], [sflag:$0x3] =	stream.linear.gather [hbm4b:s4+s18], $0x80, $0x38;
	[tilespmem:$0x12500] =	vst v63  }
0x18: {  	_ =	swait.ge [sflag:s9], $0x80  }
0x19: {  	[sflag:s9] =	ssyncset.done $0x0  }
0x1a: {  	[sflag:s9] =	ssyncadd.s32 $0xFFFFFF80  }
0x1b: {  	[tilespmem:s14], [sflag:$0x2] =	stream.indirect.gather [hbm4b:s2+s13], $0x2000, s12, s13, $0xb8;
	[tilespmem:$0x12500] =	vst v63  }
0x1c: {  	_ =	swait.ge [sflag:s15], $0x2000  }
0x1d: {  	[sflag:s15] =	ssyncset.done $0x0  }
0x1e: {  	[sflag:s15] =	ssyncadd.s32 $0xFFFFE000  }
0x1f: {  	_ =	swait.ge [sflag:s13], $0x10000  }
0x20: {  	[sflag:s13] =	ssyncset.done $0x0  }
0x21: {  	s19 =	simm.s32 $0x0;
	[sflag:s13] =	ssyncadd.s32 $0xFFFF0000  }
.LBB2_3:
0x22: {  	s20 =	sshra.s32 s18, $0x2  }
0x23: {  	v0 =	vld [tilespmem:s20+$0x10280]  }
0x24: {  	v2 =	vld [tilespmem:s20+$0x280]  }
0x25: {  	v3 =	vld [tilespmem:s20+$0x2280]  }
0x26: {  	v5 =	vld [tilespmem:s20+$0x4280]  }
0x27: {  	v6 =	vld [tilespmem:s20+$0x6280]  }
0x28: {  	v7 =	vld [tilespmem:s20+$0x8280]  }
0x29: {  	v8 =	vld [tilespmem:s20+$0xA280]  }
0x2a: {  	v1 =	vld [tilespmem:s20+$0x10200]  }
0x2b: {  	v9 =	vld [tilespmem:s20+$0x200]  }
0x2c: {  	v10 =	vld [tilespmem:s20+$0x2200]  }
0x2d: {  	v11 =	vld [tilespmem:s20+$0x4200]  }
0x2e: {  	v12 =	vld [tilespmem:s20+$0x6200]  }
0x2f: {  	v13 =	vld [tilespmem:s20+$0x8200]  }
0x30: {  	v14 =	vld [tilespmem:s20+$0xA200]  }
0x31: {  	v4 =	vld [tilespmem:s20+$0x10180]  }
0x32: {  	v15 =	vld [tilespmem:s20+$0x180]  }
0x33: {  	v16 =	vld [tilespmem:s20+$0x2180]  }
0x34: {  	v21 =	vld [tilespmem:s20+$0x10100]  }
0x35: {  	v17 =	vld [tilespmem:s20+$0x100];
	v18 =	vmul.f32 v2, v0  }
0x36: {  	v19 =	vld [tilespmem:s20+$0x2100];
	v25 =	vmul.f32 v3, v0;
	v26 =	vmul.f32 v5, v0  }
0x37: {  	v20 =	vld [tilespmem:s20+$0x4100];
	v27 =	vmul.f32 v6, v0;
	v3 =	vmul.f32 v7, v0  }
0x38: {  	v22 =	vld [tilespmem:s20+$0x4180];
	v2 =	vmul.f32 v8, v0;
	v9 =	vmul.f32 v9, v1  }
0x39: {  	v8 =	vld [tilespmem:s20+$0x6100];
	v10 =	vmul.f32 v10, v1;
	v11 =	vmul.f32 v11, v1  }
0x3a: {  	v23 =	vld [tilespmem:s20+$0x6180];
	v6 =	vmul.f32 v14, v1;
	v14 =	vmul.f32 v16, v4  }
0x3b: {  	v24 =	vld [tilespmem:s20+$0x8100];
	v16 =	vmul.f32 v17, v21;
	v17 =	vmul.f32 v19, v21  }
0x3c: {  	v29 =	vld [tilespmem:s20+$0xC100];
	v7 =	vmul.f32 v13, v1;
	v5 =	vimm.f32 $0.0e+00;
	v20 =	vmul.f32 v20, v21  }
0x3d: {  	v13 =	vmul.f32 v15, v4;
	v15 =	vld [tilespmem:s20+$0x8180];
	v16 =	vadd.f32 v16, v5;
	v17 =	vadd.f32 v17, v5  }
0x3e: {  	v19 =	vld [tilespmem:s20+$0xA180];
	v22 =	vmul.f32 v22, v4;
	v20 =	vadd.f32 v20, v5;
	v8 =	vmul.f32 v8, v21  }
0x3f: {  	v28 =	vld [tilespmem:s20+$0xA100];
	v12 =	vmul.f32 v12, v1;
	v13 =	vadd.f32 v13, v16;
	v14 =	vadd.f32 v14, v17  }
0x40: {  	v30 =	vld [tilespmem:s20+$0xE100];
	v23 =	vmul.f32 v23, v4;
	v31 =	vadd.f32 v22, v20;
	v8 =	vadd.f32 v8, v5  }
0x41: {  	v22 =	vmul.f32 v24, v21;
	v24 =	vmul.f32 v29, v21;
	v9 =	vadd.f32 v9, v13  }
0x42: {  	v20 =	vld [tilespmem:s20+$0xC180];
	v15 =	vmul.f32 v15, v4;
	v10 =	vadd.f32 v10, v14;
	v8 =	vadd.f32 v23, v8  }
0x43: {  	v17 =	vld [tilespmem:s20+$0xE180];
	v16 =	vmul.f32 v19, v4;
	v13 =	vadd.f32 v11, v31;
	v11 =	vadd.f32 v18, v9  }
0x44: {  	v19 =	vld [tilespmem:s20+$0xC200];
	v14 =	vimm.f32 $0.0e+00;
	v10 =	vadd.f32 v25, v10;
	v8 =	vadd.f32 v12, v8  }
0x45: {  	v18 =	vld [tilespmem:s20+$0xE200];
	v25 =	vmul.f32 v30, v21;
	v9 =	vadd.f32 v26, v13;
	v23 =	vmul.f32 v28, v21  }
0x46: {  	s21 =	sshll.u32 s19, $0x4;
	s22 =	simm.s32 $0x0;
	s23 =	sadd.s32 $0x800, s18;
	v13 =	vimm.f32 $0.0e+00;
	v21 =	vld [tilespmem:s20+$0xC280];
	v12 =	vimm.f32 $0.0e+00;
	v8 =	vadd.f32 v27, v8  }
.LBB2_4:
0x47: {  	v5 =	vadd.f32 v22, v5;
	v14 =	vadd.f32 v23, v14;
	v20 =	vmul.f32 v20, v4;
	v22 =	vld [tilespmem:s20+$0xE280];
	s20 =	sshra.s32 s23, $0x2  }
0x48: {  	v13 =	vadd.f32 v24, v13;
	v23 =	vld [tilespmem:s20+$0x10280];
	v12 =	vadd.f32 v25, v12;
	v4 =	vmul.f32 v17, v4  }
0x49: {  	v17 =	vld [tilespmem:s20+$0x280];
	v5 =	vadd.f32 v15, v5;
	v14 =	vadd.f32 v16, v14;
	v15 =	vmul.f32 v19, v1  }
0x4a: {  	v13 =	vadd.f32 v20, v13;
	v16 =	vld [tilespmem:s20+$0x2280];
	v4 =	vadd.f32 v4, v12;
	v1 =	vmul.f32 v18, v1  }
0x4b: {  	v18 =	vld [tilespmem:s20+$0x4280];
	v5 =	vadd.f32 v7, v5;
	v6 =	vadd.f32 v6, v14;
	v7 =	vmul.f32 v21, v0  }
0x4c: {  	v12 =	vadd.f32 v15, v13;
	v19 =	vld [tilespmem:s20+$0x6280];
	v1 =	vadd.f32 v1, v4;
	v4 =	vmul.f32 v22, v0  }
0x4d: {  	v15 =	vld [tilespmem:s20+$0x8280];
	v5 =	vadd.f32 v3, v5;
	v14 =	vadd.f32 v2, v6;
	v0 =	vmov v23  }
0x4e: {  	v13 =	vadd.f32 v7, v12;
	v2 =	vld [tilespmem:s20+$0xA280];
	v12 =	vadd.f32 v4, v1  }
0x4f: {  	v1 =	vld [tilespmem:s20+$0x10200]  }
0x50: {  	v6 =	vld [tilespmem:s20+$0x200]  }
0x51: {  	v7 =	vld [tilespmem:s20+$0x2200]  }
0x52: {  	v20 =	vld [tilespmem:s20+$0x4200]  }
0x53: {  	v21 =	vld [tilespmem:s20+$0x6200]  }
0x54: {  	v22 =	vld [tilespmem:s20+$0x8200]  }
0x55: {  	v23 =	vld [tilespmem:s20+$0xA200]  }
0x56: {  	v4 =	vld [tilespmem:s20+$0x10180]  }
0x57: {  	v24 =	vld [tilespmem:s20+$0x180]  }
0x58: {  	v25 =	vld [tilespmem:s20+$0x2180]  }
0x59: {  	v26 =	vld [tilespmem:s20+$0x10100]  }
0x5a: {  	v28 =	vmul.f32 v17, v0;
	v29 =	vmul.f32 v16, v0;
	v27 =	vld [tilespmem:s20+$0x100]  }
0x5b: {  	v30 =	vmul.f32 v18, v0;
	v31 =	vmul.f32 v19, v0;
	v16 =	vld [tilespmem:s20+$0x2100]  }
0x5c: {  	v3 =	vmul.f32 v15, v0;
	v2 =	vmul.f32 v2, v0;
	v17 =	vld [tilespmem:s20+$0x4100]  }
0x5d: {  	v18 =	vmul.f32 v6, v1;
	v19 =	vmul.f32 v7, v1;
	v15 =	vld [tilespmem:s20+$0x6100]  }
0x5e: {  	v33 =	vmul.f32 v20, v1;
	v21 =	vmul.f32 v21, v1;
	v32 =	vld [tilespmem:s20+$0x4180]  }
0x5f: {  	v7 =	vmul.f32 v22, v1;
	v6 =	vmul.f32 v23, v1;
	v20 =	vld [tilespmem:s20+$0x6180]  }
0x60: {  	v22 =	vmul.f32 v24, v4;
	v23 =	vmul.f32 v25, v4;
	v24 =	vld [tilespmem:s20+$0x8180]  }
0x61: {  	v25 =	vmul.f32 v27, v26;
	v16 =	vmul.f32 v16, v26;
	v27 =	vld [tilespmem:s20+$0xA180]  }
0x62: {  	v17 =	vmul.f32 v17, v26;
	v15 =	vmul.f32 v15, v26;
	v34 =	vld [tilespmem:s20+$0x8100]  }
0x63: {  	v11 =	vadd.f32 v25, v11;
	v10 =	vadd.f32 v16, v10;
	v25 =	vld [tilespmem:s20+$0xA100];
	v16 =	vmul.f32 v32, v4  }
0x64: {  	s22 =	sadd.s32 $0x4, s22;
	v9 =	vadd.f32 v17, v9;
	v8 =	vadd.f32 v15, v8;
	v32 =	vld [tilespmem:s20+$0xC100];
	v17 =	vmul.f32 v20, v4  }
0x65: {  	p0 =	slt.u32 s22, $0x3C;
	v11 =	vadd.f32 v22, v11;
	v10 =	vadd.f32 v23, v10;
	v35 =	vld [tilespmem:s20+$0xE100];
	v15 =	vmul.f32 v24, v4  }
.Ltmp1:
0x66: {  	v9 =	vadd.f32 v16, v9;
	v8 =	vadd.f32 v17, v8;
	v16 =	vmul.f32 v27, v4;
	v20 =	vld [tilespmem:s20+$0xC180];
	(pc) =	sbr.rel @p0 .LBB2_4-.Ltmp1, $4  }
0x67: {  	v11 =	vadd.f32 v18, v11;
	v10 =	vadd.f32 v19, v10;
	v22 =	vmul.f32 v34, v26;
	v17 =	vld [tilespmem:s20+$0xE180]  }
0x68: {  	v9 =	vadd.f32 v33, v9;
	v23 =	vmul.f32 v25, v26;
	v8 =	vadd.f32 v21, v8;
	v19 =	vld [tilespmem:s20+$0xC200]  }
0x69: {  	v11 =	vadd.f32 v28, v11;
	v10 =	vadd.f32 v29, v10;
	v24 =	vmul.f32 v32, v26;
	v18 =	vld [tilespmem:s20+$0xE200]  }
0x6a: {  	s23 =	sadd.s32 $0x800, s23;
	v9 =	vadd.f32 v30, v9;
	v25 =	vmul.f32 v35, v26;
	v8 =	vadd.f32 v31, v8;
	v21 =	vld [tilespmem:s20+$0xC280]  }
0x6b: {  	v5 =	vadd.f32 v22, v5  }
0x6c: {  	v14 =	vadd.f32 v23, v14  }
0x6d: {  	v20 =	vmul.f32 v20, v4;
	v56 =	vld [tilespmem:s20+$0xE280];
	v13 =	vadd.f32 v24, v13;
	v5 =	vadd.f32 v15, v5  }
0x6e: {  	v12 =	vadd.f32 v25, v12;
	v57 =	vmul.f32 v17, v4;
	v14 =	vadd.f32 v16, v14  }
0x6f: {  	[tilespmem:s21+$0x12100] =	vst v11;
	v58 =	vmul.f32 v19, v1;
	v13 =	vadd.f32 v20, v13;
	v5 =	vadd.f32 v7, v5  }
0x70: {  	[tilespmem:s21+$0x12180] =	vst v10;
	s19 =	sadd.s32 $0x1, s19;
	v4 =	vadd.f32 v57, v12;
	v59 =	vmul.f32 v18, v1;
	v6 =	vadd.f32 v6, v14  }
0x71: {  	[tilespmem:s21+$0x12200] =	vst v9;
	p0 =	sne.s32 s19, $0x8;
	v60 =	vmul.f32 v21, v0;
	v61 =	vadd.f32 v58, v13;
	v3 =	vadd.f32 v3, v5  }
.Ltmp2:
0x72: {  	[tilespmem:s21+$0x12280] =	vst v8;
	v1 =	vadd.f32 v59, v4;
	v62 =	vmul.f32 v56, v0;
	v2 =	vadd.f32 v2, v6;
	(pc) =	sbr.rel @p0 .LBB2_3-.Ltmp2, $4  }
0x73: {  	v63 =	vadd.f32 v60, v61;
	[tilespmem:s21+$0x12300] =	vst v3  }
0x74: {  	v0 =	vadd.f32 v62, v1;
	[tilespmem:s21+$0x12380] =	vst v2  }
0x75: {  	[tilespmem:s21+$0x12400] =	vst v63  }
0x76: {  	s18 =	sadd.s32 $0x40, s18;
	[tilespmem:s21+$0x12480] =	vst v0  }
0x77: {  	s17 =	sadd.s32 $0x1, s17  }
0x78: {  	p0 =	sne.s32 s17, s8  }
.Ltmp3:
0x79: {  	_ = 	snop;
	(pc) =	sbr.rel @p0 .LBB2_2-.Ltmp3, $4  }
0x7a: {  	[hbm4b:s6+s5] =	stream.linear.scatter [tilespmem:s16], [sflag:$0x3], $0x400, $0x38;
	[tilespmem:$0x12500] =	vst v63  }
0x7b: {  	_ =	swait.ge [sflag:s9], $0x400  }
0x7c: {  	[sflag:s9] =	ssyncset.done $0x0  }
0x7d: {  	[sflag:s9] =	ssyncadd.s32 $0xFFFFFC00  }
.LBB2_7:
0x7e: {  	_ =	sfence.sel $0x180000  }
0x7f: {  	[bflag:$0x0] =	sbarrier.arrive $0xFFFF  }
0x80: {  	p0 =	sne.s32 s0, $0x0;
	_ =	strace $0x90000047  }
0x81: {  	s0 =	sadd.s32 @!p0 $0x100000, s3;
	[bflag:$0x2] =	sbarrier.arrive $0xFFFF  }
0x82: {  	[sflag:s0] =	ssyncadd.tile.s32 @!p0 $0x1;
	_ =	shalt  }
.Lfunc_end2:
_tile_overlayer_lowered:
.L_overlay_start_2:
0x83: {  	(tag) =	ssettag $0x2  }
0x84: {  	s0 =	rddreg [dreg:$0x0];
	s2 =	stileid.u32  }
0x85: {  	s1 =	rddreg [dreg:$0x1];
	p0 =	sne.s32 s2, $0x0  }
0x86: {  	s3 =	rddreg [dreg:$0x2];
	[bflag:$0x3] =	sbarrier.arrive $0xFFFF;
	s2 =	simm.s32 @!p0 $0x1C03  }
0x87: {  	[timem:s3], [sflag:s2] =	dma.local @!p0 [hbm:s0], s1  }
0x88: {  	s0 =	simm.s32 @!p0 $0x3  }
0x89: {  	_ =	swait.ge @!p0 [sflag:s0], s1  }
0x8a: {  	s1 =	ssub.s32 @!p0 $0x0, s1;
	[sflag:s0] =	ssyncset.done @!p0 $0x0  }
0x8b: {  	[sflag:s0] =	ssyncadd.s32 @!p0 s1  }
0x8c: {  	[bflag:$0x3] =	sbarrier.arrive $0xFFFF  }
0x8d: {  	_ =	shalt  }

</sc_bundles>
